<compile_context>
chip_gen: v7x
topology: tpu7x:2x2x1
jax: 0.10.2.dev20260603
libtpu: 0.0.44.dev20260713+nightly
codegen_flags: <defaults>
</compile_context>

<pallas_src>
import jax
import jax.numpy as jnp
from jax import lax
from jax.experimental import pallas as pl
from jax.experimental.pallas import tpu as pltpu
from jax.experimental.pallas import tpu_sc as plsc

_NUM_TYPES = 1000
_EMBED_DIM = 128
_HALF_DIM = _EMBED_DIM // 2
_BATCH = 16384

_NC = 2
_NS = 16
_NW = _NC * _NS
_B_PER_W = _BATCH // _NW
_CHUNK = 128
_NCHUNK = _B_PER_W // _CHUNK



def _fuse_table_body(embed_ref, chart_ref, cw_ref, cb_ref, wt_ref,
                     comb_b_ref, out_ref):
    w1t = wt_ref[:_EMBED_DIM, :]
    w2t = wt_ref[_EMBED_DIM:, :]
    p = lax.dot_general(chart_ref[...], cw_ref[...], (((1,), (1,)), ((), ())),
                        preferred_element_type=jnp.float32)
    chart_part = lax.dot_general(p, w2t, (((1,), (0,)), ((), ())),
                                 preferred_element_type=jnp.float32)
    base_part = lax.dot_general(embed_ref[...], w1t, (((1,), (0,)), ((), ())),
                                preferred_element_type=jnp.float32)
    bias = lax.dot_general(cb_ref[...], w2t, (((1,), (0,)), ((), ())),
                           preferred_element_type=jnp.float32) + comb_b_ref[...]
    out_ref[...] = base_part + chart_part + bias


def _gather_body(table_hbm, idx_hbm, out_hbm, table_sh, idx_v, rows_v, gsem,
                 ssem):
    sid = lax.axis_index("s")
    wid = sid * _NC + lax.axis_index("c")
    base = wid * _B_PER_W

    @pl.when(sid == 0)
    def _stage():
        pltpu.sync_copy(table_hbm, table_sh)

    pltpu.sync_copy(idx_hbm.at[pl.ds(base, _B_PER_W)], idx_v)
    plsc.subcore_barrier()
    gathers = [
        pltpu.async_copy(table_sh.at[idx_v.at[pl.ds(j * _CHUNK, _CHUNK)]],
                         rows_v.at[pl.ds(j * _CHUNK, _CHUNK)], gsem)
        for j in range(_NCHUNK)
    ]
    scatters = []
    for j in range(_NCHUNK):
        gathers[j].wait()
        scatters.append(
            pltpu.async_copy(rows_v.at[pl.ds(j * _CHUNK, _CHUNK)],
                             out_hbm.at[pl.ds(base + j * _CHUNK, _CHUNK)],
                             ssem))
    for s in scatters:
        s.wait()


def kernel(type_id, embed_table, type_chart, chart_W, chart_b, combine_W,
           combine_b):
    fused = pl.pallas_call(
        _fuse_table_body,
        out_shape=jax.ShapeDtypeStruct((_NUM_TYPES, _EMBED_DIM), jnp.float32),
    )(embed_table, type_chart, chart_W, chart_b.reshape(1, _HALF_DIM),
      combine_W.T, combine_b.reshape(1, _EMBED_DIM))

    idx = type_id.astype(jnp.int32)

    mesh = plsc.VectorSubcoreMesh(core_axis_name="c", subcore_axis_name="s")
    gather = pl.kernel(
        _gather_body,
        out_type=jax.ShapeDtypeStruct((_BATCH, _EMBED_DIM), jnp.float32),
        mesh=mesh,
        scratch_types=[
            pltpu.MemorySpace.VMEM_SHARED((_NUM_TYPES, _EMBED_DIM),
                                          jnp.float32),
            pltpu.VMEM((_B_PER_W,), jnp.int32),
            pltpu.VMEM((_B_PER_W, _EMBED_DIM), jnp.float32),
            pltpu.SemaphoreType.DMA,
            pltpu.SemaphoreType.DMA,
        ],
    )
    return gather(fused, idx)

# --- scband reference (transcript-rebuilt; emitter-appended) ---
"""Pipeline reference for scband-type-embedding-35347580846731 (READ-ONLY COPY).

The authoritative reference and input builder live on the scoring server;
editing this copy changes nothing except your own understanding.
"""

import jax, jax.numpy as jnp
import numpy as np

NUM_TYPES = 1000
EMBED_DIM = 128
HALF_DIM = EMBED_DIM // 2
BATCH = 16384


def setup_inputs(seed: int = 0) -> dict:
    key = jax.random.key(seed)
    k1, k2, k3, k4, k5, k6 = jax.random.split(key, 6)
    type_id = jax.random.randint(k1, (BATCH,), 0, NUM_TYPES, dtype=jnp.int64 if jax.config.jax_enable_x64 else jnp.int32)
    embed_table = jax.random.normal(k2, (NUM_TYPES, EMBED_DIM), dtype=jnp.float32)
    # padding_idx=0 -> zero row
    embed_table = embed_table.at[0].set(0.0)
    # registered buffer initialized to ones in the torch module
    type_chart = jnp.ones((NUM_TYPES, NUM_TYPES), dtype=jnp.float32)
    # chart_projection: Linear(num_types, embed_dim//2)
    lim1 = 1.0 / np.sqrt(NUM_TYPES)
    chart_W = jax.random.uniform(k3, (HALF_DIM, NUM_TYPES), minval=-lim1, maxval=lim1, dtype=jnp.float32)
    chart_b = jax.random.uniform(k4, (HALF_DIM,), minval=-lim1, maxval=lim1, dtype=jnp.float32)
    # combine: Linear(embed_dim + embed_dim//2, embed_dim)
    lim2 = 1.0 / np.sqrt(EMBED_DIM + HALF_DIM)
    combine_W = jax.random.uniform(k5, (EMBED_DIM, EMBED_DIM + HALF_DIM), minval=-lim2, maxval=lim2, dtype=jnp.float32)
    combine_b = jax.random.uniform(k6, (EMBED_DIM,), minval=-lim2, maxval=lim2, dtype=jnp.float32)
    return {
        "type_id": type_id,
        "embed_table": embed_table,
        "type_chart": type_chart,
        "chart_W": chart_W,
        "chart_b": chart_b,
        "combine_W": combine_W,
        "combine_b": combine_b,
    }


def reference(type_id, embed_table, type_chart, chart_W, chart_b, combine_W, combine_b):
    # base embedding lookup (gather)
    base_emb = jnp.take(embed_table, type_id, axis=0)              # [B, embed_dim]
    # gather effectiveness rows from the type chart
    effectiveness = jnp.take(type_chart, type_id, axis=0)          # [B, num_types]
    # chart_projection linear
    chart_emb = effectiveness @ chart_W.T + chart_b                # [B, embed_dim//2]
    combined = jnp.concatenate([base_emb, chart_emb], axis=-1)     # [B, 3*embed_dim//2]
    out = combined @ combine_W.T + combine_b                       # [B, embed_dim]
    return out

if __name__ == "__main__":
    import jax
    _d = setup_inputs()
    print(jax.jit(kernel)(*tuple(_d.values())))

</pallas_src>

<mosaic_0001>
#map = affine_map<(d0, d1) -> (0, 0)>
#map1 = affine_map<(d0, d1) -> (0)>
module attributes {stable_mosaic.version = 14 : i64} {
  func.func @_gather_body(%arg0: i32, %arg1: i32, %arg2: memref<1000x128xf32, #tpu.memory_space<hbm>>, %arg3: memref<16384xi32, #tpu.memory_space<hbm>>, %arg4: memref<16384x128xf32, #tpu.memory_space<hbm>>, %arg5: memref<1000x128xf32, #tpu.memory_space<vmem_shared>>, %arg6: memref<512xi32, #tpu.memory_space<vmem>>, %arg7: memref<512x128xf32, #tpu.memory_space<vmem>>, %arg8: memref<!tpu.dma_semaphore, #tpu.memory_space<semaphore_mem>>, %arg9: memref<!tpu.dma_semaphore, #tpu.memory_space<semaphore_mem>>) attributes {dimension_semantics = [#tpu.dimension_semantics<core_parallel>, #tpu.dimension_semantics<subcore_parallel>], iteration_bounds = array<i64: 2, 16>, scalar_prefetch = 0 : i64, scratch_operands = 5 : i64, tpu.core_type = #tpu.core_type<sc_vector_subcore>, window_params = [{transform_indices = #map}, {transform_indices = #map1}, {transform_indices = #map}]} {
    %mul3A = arith.constant 2 : i32
    %mul3A_0 = arith.muli %arg1, %mul3A : i32
    %add3A = arith.addi %mul3A_0, %arg0 : i32
    %mul3A_1 = arith.constant 512 : i32
    %mul3A_2 = arith.muli %add3A, %mul3A_1 : i32
    %eq3A = arith.constant 0 : i32
    %eq3A_3 = arith.cmpi eq, %arg1, %eq3A : i32
    %convert_element_type3A = arith.extui %eq3A_3 : i1 to i32
    %cond3A = arith.constant 0 : i32
    %cond3A_4 = arith.cmpi ne, %convert_element_type3A, %cond3A : i32
    scf.if %cond3A_4 {
      "tpu.region"() ({
        %run_scoped3A = tpu.sem_alloc : memref<!tpu.dma_semaphore, #tpu.memory_space<semaphore_mem>>
        tpu.enqueue_dma source(%arg2 : memref<1000x128xf32, #tpu.memory_space<hbm>>) target(%arg5 : memref<1000x128xf32, #tpu.memory_space<vmem_shared>>) target_semaphore(%run_scoped3A : memref<!tpu.dma_semaphore, #tpu.memory_space<semaphore_mem>>)
        tpu.wait_dma2 semaphore(%run_scoped3A : memref<!tpu.dma_semaphore, #tpu.memory_space<semaphore_mem>>) src(%arg2 : memref<1000x128xf32, #tpu.memory_space<hbm>>) dst(%arg5 : memref<1000x128xf32, #tpu.memory_space<vmem_shared>>)
        tpu.yield
      }) : () -> ()
    } else {
    }
    "tpu.region"() ({
      %run_scoped3A = tpu.sem_alloc : memref<!tpu.dma_semaphore, #tpu.memory_space<semaphore_mem>>
      %dma_start3A_155 = tpu.memref_slice %arg3[%mul3A_2] : memref<16384xi32, #tpu.memory_space<hbm>> -> memref<512xi32, #tpu.memory_space<hbm>>
      %dma_start3A_156 = tpu.memref_slice %arg3[%mul3A_2] : memref<16384xi32, #tpu.memory_space<hbm>> -> memref<512xi32, #tpu.memory_space<hbm>>
      tpu.enqueue_dma source(%dma_start3A_156 : memref<512xi32, #tpu.memory_space<hbm>>) target(%arg6 : memref<512xi32, #tpu.memory_space<vmem>>) target_semaphore(%run_scoped3A : memref<!tpu.dma_semaphore, #tpu.memory_space<semaphore_mem>>)
      %dma_wait3A_157 = tpu.memref_slice %arg3[%mul3A_2] : memref<16384xi32, #tpu.memory_space<hbm>> -> memref<512xi32, #tpu.memory_space<hbm>>
      %dma_wait3A_158 = tpu.memref_slice %arg3[%mul3A_2] : memref<16384xi32, #tpu.memory_space<hbm>> -> memref<512xi32, #tpu.memory_space<hbm>>
      tpu.wait_dma2 semaphore(%run_scoped3A : memref<!tpu.dma_semaphore, #tpu.memory_space<semaphore_mem>>) src(%dma_wait3A_158 : memref<512xi32, #tpu.memory_space<hbm>>) dst(%arg6 : memref<512xi32, #tpu.memory_space<vmem>>)
      tpu.yield
    }) : () -> ()
    %barrier3A = arith.constant 0 : index
    tpu.barrier barrier_id(%barrier3A)
    %dma_start3A = arith.constant 0 : i32
    %dma_start3A_5 = arith.constant 0 : i32
    %dma_start3A_6 = tpu.memref_slice %arg7[%dma_start3A, %dma_start3A_5] : memref<512x128xf32, #tpu.memory_space<vmem>> -> memref<128x128xf32, #tpu.memory_space<vmem>>
    %dma_start3A_7 = arith.constant 0 : i32
    %dma_start3A_8 = tpu.memref_slice %arg6[%dma_start3A_7] : memref<512xi32, #tpu.memory_space<vmem>> -> memref<128xi32, #tpu.memory_space<vmem>>
    %dma_start3A_9 = arith.constant 0 : i32
    %dma_start3A_10 = arith.constant 0 : i32
    %dma_start3A_11 = tpu.memref_slice %arg5[%dma_start3A_9, %dma_start3A_10] : memref<1000x128xf32, #tpu.memory_space<vmem_shared>> -> memref<1000x128xf32, #tpu.memory_space<vmem_shared>>
    tpu.enqueue_indirect_dma source(%dma_start3A_11 : memref<1000x128xf32, #tpu.memory_space<vmem_shared>>) target(%dma_start3A_6 : memref<128x128xf32, #tpu.memory_space<vmem>>) offsets(%dma_start3A_8 : memref<128xi32, #tpu.memory_space<vmem>>) semaphore(%arg8 : memref<!tpu.dma_semaphore, #tpu.memory_space<semaphore_mem>>)
    %dma_start3A_12 = arith.constant 128 : i32
    %dma_start3A_13 = arith.constant 0 : i32
    %dma_start3A_14 = tpu.memref_slice %arg7[%dma_start3A_12, %dma_start3A_13] : memref<512x128xf32, #tpu.memory_space<vmem>> -> memref<128x128xf32, #tpu.memory_space<vmem>>
    %dma_start3A_15 = arith.constant 128 : i32
    %dma_start3A_16 = tpu.memref_slice %arg6[%dma_start3A_15] : memref<512xi32, #tpu.memory_space<vmem>> -> memref<128xi32, #tpu.memory_space<vmem>>
    %dma_start3A_17 = arith.constant 0 : i32
    %dma_start3A_18 = arith.constant 0 : i32
    %dma_start3A_19 = tpu.memref_slice %arg5[%dma_start3A_17, %dma_start3A_18] : memref<1000x128xf32, #tpu.memory_space<vmem_shared>> -> memref<1000x128xf32, #tpu.memory_space<vmem_shared>>
    tpu.enqueue_indirect_dma source(%dma_start3A_19 : memref<1000x128xf32, #tpu.memory_space<vmem_shared>>) target(%dma_start3A_14 : memref<128x128xf32, #tpu.memory_space<vmem>>) offsets(%dma_start3A_16 : memref<128xi32, #tpu.memory_space<vmem>>) semaphore(%arg8 : memref<!tpu.dma_semaphore, #tpu.memory_space<semaphore_mem>>)
    %dma_start3A_20 = arith.constant 256 : i32
    %dma_start3A_21 = arith.constant 0 : i32
    %dma_start3A_22 = tpu.memref_slice %arg7[%dma_start3A_20, %dma_start3A_21] : memref<512x128xf32, #tpu.memory_space<vmem>> -> memref<128x128xf32, #tpu.memory_space<vmem>>
    %dma_start3A_23 = arith.constant 256 : i32
    %dma_start3A_24 = tpu.memref_slice %arg6[%dma_start3A_23] : memref<512xi32, #tpu.memory_space<vmem>> -> memref<128xi32, #tpu.memory_space<vmem>>
    %dma_start3A_25 = arith.constant 0 : i32
    %dma_start3A_26 = arith.constant 0 : i32
    %dma_start3A_27 = tpu.memref_slice %arg5[%dma_start3A_25, %dma_start3A_26] : memref<1000x128xf32, #tpu.memory_space<vmem_shared>> -> memref<1000x128xf32, #tpu.memory_space<vmem_shared>>
    tpu.enqueue_indirect_dma source(%dma_start3A_27 : memref<1000x128xf32, #tpu.memory_space<vmem_shared>>) target(%dma_start3A_22 : memref<128x128xf32, #tpu.memory_space<vmem>>) offsets(%dma_start3A_24 : memref<128xi32, #tpu.memory_space<vmem>>) semaphore(%arg8 : memref<!tpu.dma_semaphore, #tpu.memory_space<semaphore_mem>>)
    %dma_start3A_28 = arith.constant 384 : i32
    %dma_start3A_29 = arith.constant 0 : i32
    %dma_start3A_30 = tpu.memref_slice %arg7[%dma_start3A_28, %dma_start3A_29] : memref<512x128xf32, #tpu.memory_space<vmem>> -> memref<128x128xf32, #tpu.memory_space<vmem>>
    %dma_start3A_31 = arith.constant 384 : i32
    %dma_start3A_32 = tpu.memref_slice %arg6[%dma_start3A_31] : memref<512xi32, #tpu.memory_space<vmem>> -> memref<128xi32, #tpu.memory_space<vmem>>
    %dma_start3A_33 = arith.constant 0 : i32
    %dma_start3A_34 = arith.constant 0 : i32
    %dma_start3A_35 = tpu.memref_slice %arg5[%dma_start3A_33, %dma_start3A_34] : memref<1000x128xf32, #tpu.memory_space<vmem_shared>> -> memref<1000x128xf32, #tpu.memory_space<vmem_shared>>
    tpu.enqueue_indirect_dma source(%dma_start3A_35 : memref<1000x128xf32, #tpu.memory_space<vmem_shared>>) target(%dma_start3A_30 : memref<128x128xf32, #tpu.memory_space<vmem>>) offsets(%dma_start3A_32 : memref<128xi32, #tpu.memory_space<vmem>>) semaphore(%arg8 : memref<!tpu.dma_semaphore, #tpu.memory_space<semaphore_mem>>)
    %dma_wait3A = arith.constant 0 : i32
    %dma_wait3A_36 = arith.constant 0 : i32
    %dma_wait3A_37 = tpu.memref_slice %arg7[%dma_wait3A, %dma_wait3A_36] : memref<512x128xf32, #tpu.memory_space<vmem>> -> memref<128x128xf32, #tpu.memory_space<vmem>>
    %dma_wait3A_38 = arith.constant 0 : i32
    %dma_wait3A_39 = tpu.memref_slice %arg6[%dma_wait3A_38] : memref<512xi32, #tpu.memory_space<vmem>> -> memref<128xi32, #tpu.memory_space<vmem>>
    %dma_wait3A_40 = arith.constant 0 : i32
    %dma_wait3A_41 = arith.constant 0 : i32
    %dma_wait3A_42 = tpu.memref_slice %arg5[%dma_wait3A_40, %dma_wait3A_41] : memref<1000x128xf32, #tpu.memory_space<vmem_shared>> -> memref<1000x128xf32, #tpu.memory_space<vmem_shared>>
    tpu.wait_indirect_dma semaphore(%arg8 : memref<!tpu.dma_semaphore, #tpu.memory_space<semaphore_mem>>) src(%dma_wait3A_42 : memref<1000x128xf32, #tpu.memory_space<vmem_shared>>) dst(%dma_wait3A_37 : memref<128x128xf32, #tpu.memory_space<vmem>>)
    %add3A_43 = arith.constant 0 : i32
    %add3A_44 = arith.addi %mul3A_2, %add3A_43 : i32
    %dma_start3A_45 = arith.constant 0 : i32
    %dma_start3A_46 = arith.constant 0 : i32
    %dma_start3A_47 = tpu.memref_slice %arg7[%dma_start3A_45, %dma_start3A_46] : memref<512x128xf32, #tpu.memory_space<vmem>> -> memref<128x128xf32, #tpu.memory_space<vmem>>
    %dma_start3A_48 = arith.constant 0 : i32
    %dma_start3A_49 = tpu.memref_slice %arg4[%add3A_44, %dma_start3A_48] : memref<16384x128xf32, #tpu.memory_space<hbm>> -> memref<128x128xf32, #tpu.memory_space<hbm>>
    %dma_start3A_50 = arith.constant 0 : i32
    %dma_start3A_51 = tpu.memref_slice %arg4[%add3A_44, %dma_start3A_50] : memref<16384x128xf32, #tpu.memory_space<hbm>> -> memref<128x128xf32, #tpu.memory_space<hbm>>
    %dma_start3A_52 = arith.constant 0 : i32
    %dma_start3A_53 = arith.constant 0 : i32
    %dma_start3A_54 = tpu.memref_slice %arg7[%dma_start3A_52, %dma_start3A_53] : memref<512x128xf32, #tpu.memory_space<vmem>> -> memref<128x128xf32, #tpu.memory_space<vmem>>
    tpu.enqueue_dma source(%dma_start3A_54 : memref<128x128xf32, #tpu.memory_space<vmem>>) target(%dma_start3A_51 : memref<128x128xf32, #tpu.memory_space<hbm>>) target_semaphore(%arg9 : memref<!tpu.dma_semaphore, #tpu.memory_space<semaphore_mem>>)
    %dma_wait3A_55 = arith.constant 128 : i32
    %dma_wait3A_56 = arith.constant 0 : i32
    %dma_wait3A_57 = tpu.memref_slice %arg7[%dma_wait3A_55, %dma_wait3A_56] : memref<512x128xf32, #tpu.memory_space<vmem>> -> memref<128x128xf32, #tpu.memory_space<vmem>>
    %dma_wait3A_58 = arith.constant 128 : i32
    %dma_wait3A_59 = tpu.memref_slice %arg6[%dma_wait3A_58] : memref<512xi32, #tpu.memory_space<vmem>> -> memref<128xi32, #tpu.memory_space<vmem>>
    %dma_wait3A_60 = arith.constant 0 : i32
    %dma_wait3A_61 = arith.constant 0 : i32
    %dma_wait3A_62 = tpu.memref_slice %arg5[%dma_wait3A_60, %dma_wait3A_61] : memref<1000x128xf32, #tpu.memory_space<vmem_shared>> -> memref<1000x128xf32, #tpu.memory_space<vmem_shared>>
    tpu.wait_indirect_dma semaphore(%arg8 : memref<!tpu.dma_semaphore, #tpu.memory_space<semaphore_mem>>) src(%dma_wait3A_62 : memref<1000x128xf32, #tpu.memory_space<vmem_shared>>) dst(%dma_wait3A_57 : memref<128x128xf32, #tpu.memory_space<vmem>>)
    %add3A_63 = arith.constant 128 : i32
    %add3A_64 = arith.addi %mul3A_2, %add3A_63 : i32
    %dma_start3A_65 = arith.constant 128 : i32
    %dma_start3A_66 = arith.constant 0 : i32
    %dma_start3A_67 = tpu.memref_slice %arg7[%dma_start3A_65, %dma_start3A_66] : memref<512x128xf32, #tpu.memory_space<vmem>> -> memref<128x128xf32, #tpu.memory_space<vmem>>
    %dma_start3A_68 = arith.constant 0 : i32
    %dma_start3A_69 = tpu.memref_slice %arg4[%add3A_64, %dma_start3A_68] : memref<16384x128xf32, #tpu.memory_space<hbm>> -> memref<128x128xf32, #tpu.memory_space<hbm>>
    %dma_start3A_70 = arith.constant 0 : i32
    %dma_start3A_71 = tpu.memref_slice %arg4[%add3A_64, %dma_start3A_70] : memref<16384x128xf32, #tpu.memory_space<hbm>> -> memref<128x128xf32, #tpu.memory_space<hbm>>
    %dma_start3A_72 = arith.constant 128 : i32
    %dma_start3A_73 = arith.constant 0 : i32
    %dma_start3A_74 = tpu.memref_slice %arg7[%dma_start3A_72, %dma_start3A_73] : memref<512x128xf32, #tpu.memory_space<vmem>> -> memref<128x128xf32, #tpu.memory_space<vmem>>
    tpu.enqueue_dma source(%dma_start3A_74 : memref<128x128xf32, #tpu.memory_space<vmem>>) target(%dma_start3A_71 : memref<128x128xf32, #tpu.memory_space<hbm>>) target_semaphore(%arg9 : memref<!tpu.dma_semaphore, #tpu.memory_space<semaphore_mem>>)
    %dma_wait3A_75 = arith.constant 256 : i32
    %dma_wait3A_76 = arith.constant 0 : i32
    %dma_wait3A_77 = tpu.memref_slice %arg7[%dma_wait3A_75, %dma_wait3A_76] : memref<512x128xf32, #tpu.memory_space<vmem>> -> memref<128x128xf32, #tpu.memory_space<vmem>>
    %dma_wait3A_78 = arith.constant 256 : i32
    %dma_wait3A_79 = tpu.memref_slice %arg6[%dma_wait3A_78] : memref<512xi32, #tpu.memory_space<vmem>> -> memref<128xi32, #tpu.memory_space<vmem>>
    %dma_wait3A_80 = arith.constant 0 : i32
    %dma_wait3A_81 = arith.constant 0 : i32
    %dma_wait3A_82 = tpu.memref_slice %arg5[%dma_wait3A_80, %dma_wait3A_81] : memref<1000x128xf32, #tpu.memory_space<vmem_shared>> -> memref<1000x128xf32, #tpu.memory_space<vmem_shared>>
    tpu.wait_indirect_dma semaphore(%arg8 : memref<!tpu.dma_semaphore, #tpu.memory_space<semaphore_mem>>) src(%dma_wait3A_82 : memref<1000x128xf32, #tpu.memory_space<vmem_shared>>) dst(%dma_wait3A_77 : memref<128x128xf32, #tpu.memory_space<vmem>>)
    %add3A_83 = arith.constant 256 : i32
    %add3A_84 = arith.addi %mul3A_2, %add3A_83 : i32
    %dma_start3A_85 = arith.constant 256 : i32
    %dma_start3A_86 = arith.constant 0 : i32
    %dma_start3A_87 = tpu.memref_slice %arg7[%dma_start3A_85, %dma_start3A_86] : memref<512x128xf32, #tpu.memory_space<vmem>> -> memref<128x128xf32, #tpu.memory_space<vmem>>
    %dma_start3A_88 = arith.constant 0 : i32
    %dma_start3A_89 = tpu.memref_slice %arg4[%add3A_84, %dma_start3A_88] : memref<16384x128xf32, #tpu.memory_space<hbm>> -> memref<128x128xf32, #tpu.memory_space<hbm>>
    %dma_start3A_90 = arith.constant 0 : i32
    %dma_start3A_91 = tpu.memref_slice %arg4[%add3A_84, %dma_start3A_90] : memref<16384x128xf32, #tpu.memory_space<hbm>> -> memref<128x128xf32, #tpu.memory_space<hbm>>
    %dma_start3A_92 = arith.constant 256 : i32
    %dma_start3A_93 = arith.constant 0 : i32
    %dma_start3A_94 = tpu.memref_slice %arg7[%dma_start3A_92, %dma_start3A_93] : memref<512x128xf32, #tpu.memory_space<vmem>> -> memref<128x128xf32, #tpu.memory_space<vmem>>
    tpu.enqueue_dma source(%dma_start3A_94 : memref<128x128xf32, #tpu.memory_space<vmem>>) target(%dma_start3A_91 : memref<128x128xf32, #tpu.memory_space<hbm>>) target_semaphore(%arg9 : memref<!tpu.dma_semaphore, #tpu.memory_space<semaphore_mem>>)
    %dma_wait3A_95 = arith.constant 384 : i32
    %dma_wait3A_96 = arith.constant 0 : i32
    %dma_wait3A_97 = tpu.memref_slice %arg7[%dma_wait3A_95, %dma_wait3A_96] : memref<512x128xf32, #tpu.memory_space<vmem>> -> memref<128x128xf32, #tpu.memory_space<vmem>>
    %dma_wait3A_98 = arith.constant 384 : i32
    %dma_wait3A_99 = tpu.memref_slice %arg6[%dma_wait3A_98] : memref<512xi32, #tpu.memory_space<vmem>> -> memref<128xi32, #tpu.memory_space<vmem>>
    %dma_wait3A_100 = arith.constant 0 : i32
    %dma_wait3A_101 = arith.constant 0 : i32
    %dma_wait3A_102 = tpu.memref_slice %arg5[%dma_wait3A_100, %dma_wait3A_101] : memref<1000x128xf32, #tpu.memory_space<vmem_shared>> -> memref<1000x128xf32, #tpu.memory_space<vmem_shared>>
    tpu.wait_indirect_dma semaphore(%arg8 : memref<!tpu.dma_semaphore, #tpu.memory_space<semaphore_mem>>) src(%dma_wait3A_102 : memref<1000x128xf32, #tpu.memory_space<vmem_shared>>) dst(%dma_wait3A_97 : memref<128x128xf32, #tpu.memory_space<vmem>>)
    %add3A_103 = arith.constant 384 : i32
    %add3A_104 = arith.addi %mul3A_2, %add3A_103 : i32
    %dma_start3A_105 = arith.constant 384 : i32
    %dma_start3A_106 = arith.constant 0 : i32
    %dma_start3A_107 = tpu.memref_slice %arg7[%dma_start3A_105, %dma_start3A_106] : memref<512x128xf32, #tpu.memory_space<vmem>> -> memref<128x128xf32, #tpu.memory_space<vmem>>
    %dma_start3A_108 = arith.constant 0 : i32
    %dma_start3A_109 = tpu.memref_slice %arg4[%add3A_104, %dma_start3A_108] : memref<16384x128xf32, #tpu.memory_space<hbm>> -> memref<128x128xf32, #tpu.memory_space<hbm>>
    %dma_start3A_110 = arith.constant 0 : i32
    %dma_start3A_111 = tpu.memref_slice %arg4[%add3A_104, %dma_start3A_110] : memref<16384x128xf32, #tpu.memory_space<hbm>> -> memref<128x128xf32, #tpu.memory_space<hbm>>
    %dma_start3A_112 = arith.constant 384 : i32
    %dma_start3A_113 = arith.constant 0 : i32
    %dma_start3A_114 = tpu.memref_slice %arg7[%dma_start3A_112, %dma_start3A_113] : memref<512x128xf32, #tpu.memory_space<vmem>> -> memref<128x128xf32, #tpu.memory_space<vmem>>
    tpu.enqueue_dma source(%dma_start3A_114 : memref<128x128xf32, #tpu.memory_space<vmem>>) target(%dma_start3A_111 : memref<128x128xf32, #tpu.memory_space<hbm>>) target_semaphore(%arg9 : memref<!tpu.dma_semaphore, #tpu.memory_space<semaphore_mem>>)
    %dma_wait3A_115 = arith.constant 0 : i32
    %dma_wait3A_116 = arith.constant 0 : i32
    %dma_wait3A_117 = tpu.memref_slice %arg7[%dma_wait3A_115, %dma_wait3A_116] : memref<512x128xf32, #tpu.memory_space<vmem>> -> memref<128x128xf32, #tpu.memory_space<vmem>>
    %dma_wait3A_118 = arith.constant 0 : i32
    %dma_wait3A_119 = tpu.memref_slice %arg4[%add3A_44, %dma_wait3A_118] : memref<16384x128xf32, #tpu.memory_space<hbm>> -> memref<128x128xf32, #tpu.memory_space<hbm>>
    %dma_wait3A_120 = arith.constant 0 : i32
    %dma_wait3A_121 = tpu.memref_slice %arg4[%add3A_44, %dma_wait3A_120] : memref<16384x128xf32, #tpu.memory_space<hbm>> -> memref<128x128xf32, #tpu.memory_space<hbm>>
    %dma_wait3A_122 = arith.constant 0 : i32
    %dma_wait3A_123 = arith.constant 0 : i32
    %dma_wait3A_124 = tpu.memref_slice %arg7[%dma_wait3A_122, %dma_wait3A_123] : memref<512x128xf32, #tpu.memory_space<vmem>> -> memref<128x128xf32, #tpu.memory_space<vmem>>
    tpu.wait_dma2 semaphore(%arg9 : memref<!tpu.dma_semaphore, #tpu.memory_space<semaphore_mem>>) src(%dma_wait3A_124 : memref<128x128xf32, #tpu.memory_space<vmem>>) dst(%dma_wait3A_121 : memref<128x128xf32, #tpu.memory_space<hbm>>)
    %dma_wait3A_125 = arith.constant 128 : i32
    %dma_wait3A_126 = arith.constant 0 : i32
    %dma_wait3A_127 = tpu.memref_slice %arg7[%dma_wait3A_125, %dma_wait3A_126] : memref<512x128xf32, #tpu.memory_space<vmem>> -> memref<128x128xf32, #tpu.memory_space<vmem>>
    %dma_wait3A_128 = arith.constant 0 : i32
    %dma_wait3A_129 = tpu.memref_slice %arg4[%add3A_64, %dma_wait3A_128] : memref<16384x128xf32, #tpu.memory_space<hbm>> -> memref<128x128xf32, #tpu.memory_space<hbm>>
    %dma_wait3A_130 = arith.constant 0 : i32
    %dma_wait3A_131 = tpu.memref_slice %arg4[%add3A_64, %dma_wait3A_130] : memref<16384x128xf32, #tpu.memory_space<hbm>> -> memref<128x128xf32, #tpu.memory_space<hbm>>
    %dma_wait3A_132 = arith.constant 128 : i32
    %dma_wait3A_133 = arith.constant 0 : i32
    %dma_wait3A_134 = tpu.memref_slice %arg7[%dma_wait3A_132, %dma_wait3A_133] : memref<512x128xf32, #tpu.memory_space<vmem>> -> memref<128x128xf32, #tpu.memory_space<vmem>>
    tpu.wait_dma2 semaphore(%arg9 : memref<!tpu.dma_semaphore, #tpu.memory_space<semaphore_mem>>) src(%dma_wait3A_134 : memref<128x128xf32, #tpu.memory_space<vmem>>) dst(%dma_wait3A_131 : memref<128x128xf32, #tpu.memory_space<hbm>>)
    %dma_wait3A_135 = arith.constant 256 : i32
    %dma_wait3A_136 = arith.constant 0 : i32
    %dma_wait3A_137 = tpu.memref_slice %arg7[%dma_wait3A_135, %dma_wait3A_136] : memref<512x128xf32, #tpu.memory_space<vmem>> -> memref<128x128xf32, #tpu.memory_space<vmem>>
    %dma_wait3A_138 = arith.constant 0 : i32
    %dma_wait3A_139 = tpu.memref_slice %arg4[%add3A_84, %dma_wait3A_138] : memref<16384x128xf32, #tpu.memory_space<hbm>> -> memref<128x128xf32, #tpu.memory_space<hbm>>
    %dma_wait3A_140 = arith.constant 0 : i32
    %dma_wait3A_141 = tpu.memref_slice %arg4[%add3A_84, %dma_wait3A_140] : memref<16384x128xf32, #tpu.memory_space<hbm>> -> memref<128x128xf32, #tpu.memory_space<hbm>>
    %dma_wait3A_142 = arith.constant 256 : i32
    %dma_wait3A_143 = arith.constant 0 : i32
    %dma_wait3A_144 = tpu.memref_slice %arg7[%dma_wait3A_142, %dma_wait3A_143] : memref<512x128xf32, #tpu.memory_space<vmem>> -> memref<128x128xf32, #tpu.memory_space<vmem>>
    tpu.wait_dma2 semaphore(%arg9 : memref<!tpu.dma_semaphore, #tpu.memory_space<semaphore_mem>>) src(%dma_wait3A_144 : memref<128x128xf32, #tpu.memory_space<vmem>>) dst(%dma_wait3A_141 : memref<128x128xf32, #tpu.memory_space<hbm>>)
    %dma_wait3A_145 = arith.constant 384 : i32
    %dma_wait3A_146 = arith.constant 0 : i32
    %dma_wait3A_147 = tpu.memref_slice %arg7[%dma_wait3A_145, %dma_wait3A_146] : memref<512x128xf32, #tpu.memory_space<vmem>> -> memref<128x128xf32, #tpu.memory_space<vmem>>
    %dma_wait3A_148 = arith.constant 0 : i32
    %dma_wait3A_149 = tpu.memref_slice %arg4[%add3A_104, %dma_wait3A_148] : memref<16384x128xf32, #tpu.memory_space<hbm>> -> memref<128x128xf32, #tpu.memory_space<hbm>>
    %dma_wait3A_150 = arith.constant 0 : i32
    %dma_wait3A_151 = tpu.memref_slice %arg4[%add3A_104, %dma_wait3A_150] : memref<16384x128xf32, #tpu.memory_space<hbm>> -> memref<128x128xf32, #tpu.memory_space<hbm>>
    %dma_wait3A_152 = arith.constant 384 : i32
    %dma_wait3A_153 = arith.constant 0 : i32
    %dma_wait3A_154 = tpu.memref_slice %arg7[%dma_wait3A_152, %dma_wait3A_153] : memref<512x128xf32, #tpu.memory_space<vmem>> -> memref<128x128xf32, #tpu.memory_space<vmem>>
    tpu.wait_dma2 semaphore(%arg9 : memref<!tpu.dma_semaphore, #tpu.memory_space<semaphore_mem>>) src(%dma_wait3A_154 : memref<128x128xf32, #tpu.memory_space<vmem>>) dst(%dma_wait3A_151 : memref<128x128xf32, #tpu.memory_space<hbm>>)
    return
  }
}

module attributes {stable_mosaic.version = 14 : i64} {
  func.func @_fuse_table_body(%arg0: memref<1000x128xf32, #tpu.memory_space<vmem>>, %arg1: memref<1000x1000xf32, #tpu.memory_space<vmem>>, %arg2: memref<64x1000xf32, #tpu.memory_space<vmem>>, %arg3: memref<1x64xf32, #tpu.memory_space<vmem>>, %arg4: memref<192x128xf32, #tpu.memory_space<vmem>>, %arg5: memref<1x128xf32, #tpu.memory_space<vmem>>, %arg6: memref<1000x128xf32, #tpu.memory_space<vmem>>) attributes {dimension_semantics = [], scalar_prefetch = 0 : i64, scratch_operands = 0 : i64, tpu.core_type = #tpu.core_type<tc>} {
    %get3A = arith.constant 0 : index
    %get3A_0 = arith.constant 0 : index
    %get3A_1 = vector.load %arg4[%get3A, %get3A_0] : memref<192x128xf32, #tpu.memory_space<vmem>>, vector<128x128xf32>
    %get3A_2 = arith.constant 128 : index
    %get3A_3 = arith.constant 0 : index
    %get3A_4 = vector.load %arg4[%get3A_2, %get3A_3] : memref<192x128xf32, #tpu.memory_space<vmem>>, vector<64x128xf32>
    %get3A_5 = arith.constant 0 : index
    %get3A_6 = arith.constant 0 : index
    %get3A_7 = vector.load %arg1[%get3A_5, %get3A_6] : memref<1000x1000xf32, #tpu.memory_space<vmem>>, vector<1000x1000xf32>
    %get3A_8 = arith.constant 0 : index
    %get3A_9 = arith.constant 0 : index
    %get3A_10 = vector.load %arg2[%get3A_8, %get3A_9] : memref<64x1000xf32, #tpu.memory_space<vmem>>, vector<64x1000xf32>
    %dot_general3A = arith.constant dense<0.000000e+00> : vector<1000x64xf32>
    %dot_general3A_11 = tpu.matmul %get3A_7, %get3A_10, %dot_general3A {dimension_numbers = #tpu.dot_dimension_numbers<[1], [1], [0], [0], [0, 0, 1, 0], [], []>, transpose_lhs_hint = false} : vector<1000x1000xf32>, vector<64x1000xf32>, vector<1000x64xf32> -> vector<1000x64xf32>
    %dot_general3A_12 = arith.constant dense<0.000000e+00> : vector<1000x128xf32>
    %dot_general3A_13 = tpu.matmul %dot_general3A_11, %get3A_4, %dot_general3A_12 {dimension_numbers = #tpu.dot_dimension_numbers<[1], [0], [0], [1], [0, 0, 1, 1], [], []>, transpose_lhs_hint = false} : vector<1000x64xf32>, vector<64x128xf32>, vector<1000x128xf32> -> vector<1000x128xf32>
    %get3A_14 = arith.constant 0 : index
    %get3A_15 = arith.constant 0 : index
    %get3A_16 = vector.load %arg0[%get3A_14, %get3A_15] : memref<1000x128xf32, #tpu.memory_space<vmem>>, vector<1000x128xf32>
    %dot_general3A_17 = arith.constant dense<0.000000e+00> : vector<1000x128xf32>
    %dot_general3A_18 = tpu.matmul %get3A_16, %get3A_1, %dot_general3A_17 {dimension_numbers = #tpu.dot_dimension_numbers<[1], [0], [0], [1], [0, 0, 1, 1], [], []>, transpose_lhs_hint = false} : vector<1000x128xf32>, vector<128x128xf32>, vector<1000x128xf32> -> vector<1000x128xf32>
    %get3A_19 = arith.constant 0 : index
    %get3A_20 = arith.constant 0 : index
    %get3A_21 = vector.load %arg3[%get3A_19, %get3A_20] : memref<1x64xf32, #tpu.memory_space<vmem>>, vector<1x64xf32>
    %dot_general3A_22 = arith.constant dense<0.000000e+00> : vector<1x128xf32>
    %dot_general3A_23 = tpu.matmul %get3A_21, %get3A_4, %dot_general3A_22 {dimension_numbers = #tpu.dot_dimension_numbers<[1], [0], [0], [1], [0, 0, 1, 1], [], []>, transpose_lhs_hint = false} : vector<1x64xf32>, vector<64x128xf32>, vector<1x128xf32> -> vector<1x128xf32>
    %get3A_24 = arith.constant 0 : index
    %get3A_25 = arith.constant 0 : index
    %get3A_26 = vector.load %arg5[%get3A_24, %get3A_25] : memref<1x128xf32, #tpu.memory_space<vmem>>, vector<1x128xf32>
    %add3A = arith.addf %dot_general3A_23, %get3A_26 : vector<1x128xf32>
    %add3A_27 = arith.addf %dot_general3A_18, %dot_general3A_13 : vector<1000x128xf32>
    %add3A_28 = vector.broadcast %add3A : vector<1x128xf32> to vector<1000x128xf32>
    %add3A_29 = arith.addf %add3A_27, %add3A_28 : vector<1000x128xf32>
    %swap3A = arith.constant 0 : index
    %swap3A_30 = arith.constant 0 : index
    %swap3A_31 = vector.load %arg6[%swap3A, %swap3A_30] : memref<1000x128xf32, #tpu.memory_space<vmem>>, vector<1000x128xf32>
    tpu.vector_store %arg6[%swap3A, %swap3A_30], %add3A_29 {strides = array<i32>} : memref<1000x128xf32, #tpu.memory_space<vmem>>, vector<1000x128xf32>,
    return
  }
}

</mosaic_0001>

<sc_bundles>
// kernel: kernel.4.cloned.1.call-start
scs
__scs_entry_jumppad:
0x0: {  	(pc) =	sbr.rel $0x88, $3  }
0x1: {  	(tag) =	ssettag $0x0;
	lr =	simm.s32 $0x1  }
0x2: {  	[smem:$0x3F9A] =	sst lr;
	_ =	strace $0xD0000000  }
0x3: {  	_ = 	snop  }
0x4: {  	_ = 	snop  }
0x5: {  	_ = 	snop  }
0x6: {  	_ = 	snop  }
0x7: {  	_ = 	snop  }
__scs_overlays_trampoline_lowered:
0x8: {  	[smem:$0x3FA9] =	sst s0  }
0x9: {  	[smem:$0x3FAA] =	sst s1  }
0xa: {  	[smem:$0x3FAB] =	sst s2  }
0xb: {  	[smem:$0x3FAC] =	sst s3  }
0xc: {  	[smem:$0x3FAD] =	sst s4  }
0xd: {  	[smem:$0x3FAE] =	sst s5  }
0xe: {  	[smem:$0x3FAF] =	sst s6  }
0xf: {  	[smem:$0x3FB0] =	sst s7  }
0x10: {  	[smem:$0x3FB1] =	sst s8  }
0x11: {  	[smem:$0x3FB2] =	sst s9;
	s0 =	simm.s32 @!p0 $0x0  }
0x12: {  	s1 =	sld [smem:$0x3F98];
	s0 =	simm.s32 @p0 $0x1  }
0x13: {  	[smem:$0x3FB3] =	sst s0;
	s0 =	simm.s32 @!p1 $0x0  }
0x14: {  	s2 =	sld [smem:$0x3F97];
	s0 =	simm.s32 @p1 $0x1  }
0x15: {  	[smem:$0x3FB4] =	sst s0;
	s0 =	simm.s32 @!p2 $0x0  }
0x16: {  	s3 =	sld [smem:$0x3FDB];
	s0 =	simm.s32 @p2 $0x1  }
0x17: {  	s4 =	simm.s32 $0x1BF5;
	[smem:$0x3FB6] =	sst s0  }
0x18: {  	s0 =	sld [smem:$0x3F99];
	_ =	swait.ge [sflag:s4], $0x0  }
0x19: {  	s7 =	sld [smem:$0x3F9A]  }
0x1a: {  	s8 =	sadd.s32 $0xFFFFE003, lr  }
0x1b: {  	s9 =	sadd.s32 $0xFFFFFEF7, lr;
	s5 =	simm.s32 $0xFFFFFFFF;
	p2 =	slt.u32 s8, $0xFFFFF086  }
0x1c: {  	p1 =	slt.u32 s9, $0xF7A;
	s5 =	simm.s32 @!p2 $0x0  }
0x1d: {  	s5 =	simm.s32 @p1 $0x1;
	p0 =	seq.s32 s7, s2  }
0x1e: {  	s7 =	smul.u32 @!p0 $0xF7A, s2;
	p2 =	seq.s32 @!p0 s5, $0x0  }
0x1f: {  	s9 =	smul.u32 $0xF7A, s1;
	s8 =	simm.s32 @!p0 $0x1BF5;
	p2 =	por !p2, p0  }
0x20: {  	[sflag:s8] =	ssyncset.s32 @!p0 $0xFFFFF086;
	s6 =	sadd.s32 @!p0 s3, s7;
	s7 =	simm.s32 @!p0 $0x108  }
0x21: {  	s3 =	sadd.s32 s3, s9;
	s6 =	sadd.s32 @!p0 $0x88, s6;
	s7 =	simm.s32 @p2 $0x1082  }
0x22: {  	[simem:s7], [sflag:s8] =	dma.local @!p0 [hbm:s6], $0xF7A  }
0x23: {  	s9 =	sor.u32 $0xD0000000, s2;
	s6 =	simm.s32 $0x108;
	_ =	swait.ge @!p0 [sflag:s8], $0x0  }
0x24: {  	s3 =	sadd.s32 $0x88, s3;
	s6 =	simm.s32 @!p1 $0x1082;
	[sflag:s4] =	ssyncset.s32 $0xFFFFF086  }
0x25: {  	[simem:s6], [sflag:s4] =	dma.local [hbm:s3], $0xF7A  }
0x26: {  	[smem:$0x3F9A] =	sst s1;
	(tag) =	ssettag s2;
	_ =	strace s9  }
0x27: {  	s1 =	sld [smem:$0x3FAA]  }
0x28: {  	s2 =	sld [smem:$0x3FAB]  }
0x29: {  	s4 =	sld [smem:$0x3FAD]  }
0x2a: {  	p0 =	seq.s32 s5, $0x0;
	s5 =	sld [smem:$0x3FAE]  }
0x2b: {  	s6 =	sld [smem:$0x3FAF]  }
0x2c: {  	s7 =	sld [smem:$0x3FB0]  }
0x2d: {  	s3 =	simm.s32 $0x108;
	s8 =	sld [smem:$0x3FB1]  }
0x2e: {  	s3 =	simm.s32 @!p0 $0x1082;
	s9 =	sld [smem:$0x3FB2]  }
0x2f: {  	lr =	sadd.s32 s0, s3;
	s0 =	sld [smem:$0x3FA9]  }
0x30: {  	s3 =	sld [smem:$0x3FAC]  }
0x31: {  	[smem:$0x3FB5] =	sst s10  }
0x32: {  	s10 =	sld [smem:$0x3FB3];
	_ =	sdelay $0x3  }
0x33: {  	p0 =	seq.s32 s10, $0x1;
	s10 =	sld [smem:$0x3FB5];
	_ =	sdelay $0x3  }
0x34: {  	[smem:$0x3FB5] =	sst s10  }
0x35: {  	s10 =	sld [smem:$0x3FB4];
	_ =	sdelay $0x3  }
0x36: {  	p1 =	seq.s32 s10, $0x1;
	s10 =	sld [smem:$0x3FB5];
	_ =	sdelay $0x3  }
0x37: {  	[smem:$0x3FB5] =	sst s10  }
0x38: {  	s10 =	sld [smem:$0x3FB6]  }
0x39: {  	_ = 	snop;
	(pc) =	sbr.ind lr, $3  }
0x3a: {  	_ = 	snop  }
0x3b: {  	_ = 	snop  }
0x3c: {  	p2 =	seq.s32 s10, $0x1;
	s10 =	sld [smem:$0x3FB5]  }
0x3d: {  	_ =	shalt  }
0x3e: {  	_ =	shalt  }
0x3f: {  	_ =	shalt  }
0x40: {  	_ =	shalt  }
0x41: {  	_ =	shalt  }
0x42: {  	_ =	shalt  }
0x43: {  	_ =	shalt  }
0x44: {  	_ =	shalt  }
0x45: {  	_ =	shalt  }
0x46: {  	_ =	shalt  }
0x47: {  	_ =	shalt  }
0x48: {  	_ =	shalt  }
0x49: {  	_ =	shalt  }
0x4a: {  	_ =	shalt  }
0x4b: {  	_ =	shalt  }
0x4c: {  	_ =	shalt  }
0x4d: {  	_ =	shalt  }
0x4e: {  	_ =	shalt  }
0x4f: {  	_ =	shalt  }
0x50: {  	_ =	shalt  }
0x51: {  	_ =	shalt  }
0x52: {  	_ =	shalt  }
0x53: {  	_ =	shalt  }
0x54: {  	_ =	shalt  }
0x55: {  	_ =	shalt  }
0x56: {  	_ =	shalt  }
0x57: {  	_ =	shalt  }
0x58: {  	_ =	shalt  }
0x59: {  	_ =	shalt  }
0x5a: {  	_ =	shalt  }
0x5b: {  	_ =	shalt  }
0x5c: {  	_ =	shalt  }
0x5d: {  	_ =	shalt  }
0x5e: {  	_ =	shalt  }
0x5f: {  	_ =	shalt  }
0x60: {  	_ =	shalt  }
0x61: {  	_ =	shalt  }
0x62: {  	_ =	shalt  }
0x63: {  	_ =	shalt  }
0x64: {  	_ =	shalt  }
0x65: {  	_ =	shalt  }
0x66: {  	_ =	shalt  }
0x67: {  	_ =	shalt  }
0x68: {  	_ =	shalt  }
0x69: {  	_ =	shalt  }
0x6a: {  	_ =	shalt  }
0x6b: {  	_ =	shalt  }
0x6c: {  	_ =	shalt  }
0x6d: {  	_ =	shalt  }
0x6e: {  	_ =	shalt  }
0x6f: {  	_ =	shalt  }
0x70: {  	_ =	shalt  }
0x71: {  	_ =	shalt  }
0x72: {  	_ =	shalt  }
0x73: {  	_ =	shalt  }
0x74: {  	_ =	shalt  }
0x75: {  	_ =	shalt  }
0x76: {  	_ =	shalt  }
0x77: {  	_ =	shalt  }
0x78: {  	_ =	shalt  }
0x79: {  	_ =	shalt  }
0x7a: {  	_ =	shalt  }
0x7b: {  	_ =	shalt  }
0x7c: {  	_ =	shalt  }
0x7d: {  	_ =	shalt  }
0x7e: {  	_ =	shalt  }
0x7f: {  	_ =	shalt  }
0x80: {  	_ =	shalt  }
0x81: {  	_ =	shalt  }
0x82: {  	_ =	shalt  }
0x83: {  	_ =	shalt  }
0x84: {  	_ =	shalt  }
0x85: {  	_ =	shalt  }
0x86: {  	_ =	shalt  }
0x87: {  	_ =	shalt  }
.Lfunc_end0:
.L_simem_size_0:
called_computation_lowered:
.L_overlay_start_0:
0x88: {  	s2 =	sld [smem:$0x3FD9]  }
0x89: {  	s3 =	sld [smem:$0x3FFE];
	_ =	sdelay $0x1  }
0x8a: {  	s1 =	srdreg.scid  }
0x8b: {  	s0 =	sand.u32 $0x1, s1  }
0x8c: {  	s17 =	sshll.u32 s0, $0xA;
	s2 =	sadd.s32 s3, s2  }
0x8d: {  	s2 =	sadd.s32 s2, s17  }
0x8e: {  	[smem:$0x3FC1] =	sst s2  }
0x8f: {  	_ = 	snop  }
0x90: {  	s2 =	sld [smem:$0x3FC9]  }
0x91: {  	s18 =	sld [smem:$0x3FD0];
	(tm) =	ssettm $0x1  }
0x92: {  	s4 =	sld [smem:$0x3FFB];
	_ =	sdelay $0x3  }
0x93: {  	_ =	strace s4  }
0x94: {  	s4 =	sld [smem:$0x3FFC];
	_ =	sdelay $0x3  }
0x95: {  	_ =	strace s4  }
0x96: {  	s4 =	sld [smem:$0x3FFD];
	_ =	sdelay $0x3  }
0x97: {  	_ =	strace s4  }
0x98: {  	_ =	strace $0x8FFFFFFF  }
0x99: {  	s19 =	sld [smem:$0x3FDB];
	_ =	sdelay $0x1  }
0x9a: {  	s5 =	simm.s32 $_scs_section_size  }
0x9b: {  	s6 =	simm.s32 $_size__tile_overlayer_lowered;
	s7 =	simm.s32 $_tile_overlayer_lowered  }
0x9c: {  	s22 =	simm.s32 $0x1BFF;
	s21 =	sshll.u32 s7, $0x1;
	s4 =	sadd.s32 s5, s19  }
0x9d: {  	s8 =	simm.s32 $0x0;
	s20 =	sshll.u32 s6, $0x1;
	s6 =	sadd.s32 s21, s4  }
0x9e: {  	[timem:s8], [sflag:s22] =	dma.local [hbm:s6], s20  }
0x9f: {  	_ =	swait.ge [sflag:s22], s20  }
0xa0: {  	s5 =	ssub.s32 $0x0, s20;
	[sflag:s22] =	ssyncset.done $0x0  }
0xa1: {  	[sflag:s22] =	ssyncadd.s32 s5;
	_ =	sdelay $0x1  }
0xa2: {  	s23 =	simm.s32 $0x1B8B  }
0xa3: {  	_ =	swait.ge [sflag:s23], $0x1  }
0xa4: {  	[sflag:s23] =	ssyncset.done $0x0  }
0xa5: {  	s25 =	simm.s32 $0x1B8E;
	s24 =	sld [smem:$0x3FFE];
	[sflag:s23] =	ssyncadd.s32 $0xFFFFFFFF  }
0xa6: {  	s26 =	simm.s32 $execute0_lowered;
	[smem:$0x3FD2] =	sst s25  }
0xa7: {  	s6 =	sshll.u32 s26, $0x1;
	_ =	strace $0x80000046;
	[dreg:$0x1] =	wrdreg $0xFFFFFFFF  }
0xa8: {  	s28 =	simm.s32 $_size_execute0_lowered;
	s4 =	sadd.s32 s4, s6;
	[dreg:$0x0] =	wrdreg $0x0  }
0xa9: {  	s6 =	sshll.u32 s28, $0x1;
	[dreg:$0x2] =	wrdreg s4  }
0xaa: {  	[dreg:$0x3] =	wrdreg s6  }
0xab: {  	[dreg:$0x4] =	wrdreg $0xC0  }
0xac: {  	_ =	task [dreg:s8], $0x5FFFF  }
0xad: {  	[dreg:$0x1] =	wrdreg $0xFFFFFFFF  }
0xae: {  	[dreg:$0x0] =	wrdreg $0x60  }
0xaf: {  	[dreg:$0x2] =	wrdreg s24  }
0xb0: {  	[dreg:$0x3] =	wrdreg s2  }
0xb1: {  	[dreg:$0x4] =	wrdreg s18  }
0xb2: {  	[dreg:$0x5] =	wrdreg $0x0  }
0xb3: {  	[dreg:$0x6] =	wrdreg $0x9  }
0xb4: {  	_ =	task.clear_ibuf [dreg:s8], $0x7FFFF;
	_ =	strace $0x90000046  }
0xb5: {  	s29 =	simm.s32 $0x9;
	_ =	strace $0x80000048  }
0xb6: {  	_ =	swait.ge [sflag:s29], $0x1  }
0xb7: {  	[sflag:s29] =	ssyncadd.s32 $0xFFFFFFFF  }
0xb8: {  	_ =	strace $0x90000048  }
0xb9: {  	_ =	sfence  }
0xba: {  	s30 =	sld [smem:$0x0];
	_ =	sdelay $0x2  }
0xbb: {  	s31 =	sshll.u32 s1, $0xD;
	s1 =	sshrl.u32 s1, $0x2  }
0xbc: {  	s3 =	sand.u32 $0x4000, s31;
	s1 =	sadd.s32 s1, s30  }
0xbd: {  	s0 =	sor.u32 s3, s0;
	s1 =	sshll.u32 s1, $0x11  }
0xbe: {  	s0 =	sor.u32 s1, s0  }
0xbf: {  	s0 =	sadd.s32 $0x8F2B, s0  }
0xc0: {  	[sflag:s0] =	ssyncadd.remote.s32 $0x1  }
0xc1: {  	_ =	sfence.sel $0xFFFF  }
0xc2: {  	[dreg:$0x0] =	wrdreg $0xFFFFFFFF;
	(pc) =	sbr.abs _section_cstart, $3  }
0xc3: {  	[dreg:$0x1] =	wrdreg $0xFFFFFFFF  }
0xc4: {  	_ =	task.clear_ibuf [dreg:s8], $0x2FFFF;
	_ =	strace $0x9FFFFFFF  }
0xc5: {  	(tm) =	ssettm $0x7FFFFFFF  }
tec
execute0_lowered:
.L_overlay_start_1:
0x0: {  	(tag) =	ssettag $0x1  }
0x1: {  	s3 =	rddreg [dreg:$0x0]  }
0x2: {  	s4 =	rddreg [dreg:$0x1]  }
0x3: {  	s5 =	rddreg [dreg:$0x2]  }
0x4: {  	s2 =	rddreg [dreg:$0x3]  }
0x5: {  	s0 =	rddreg [dreg:$0x4]  }
0x6: {  	s1 =	simm.s32 $0x0;
	s6 =	srdreg.scid;
	s8 =	stileid.u32  }
0x7: {  	s16 =	simm.s32 $0x1F40;
	s17 =	simm.s32 $0x3;
	s6 =	sand.u32 $0x1, s6  }
0x8: {  	s15 =	simm.s32 $0x80;
	s13 =	simm.s32 $0x2140;
	s28 =	ssub.s32 $0x2, s6  }
0x9: {  	s18 =	simm.s32 $0x1FC0;
	s19 =	simm.s32 $0x2040;
	s30 =	sshrl.u32 s28, $0x1  }
0xa: {  	s20 =	simm.s32 $0x20C0;
	s12 =	simm.s32 $0x1;
	s11 =	ssub.s32 s28, s30  }
0xb: {  	p1 =	por $0x0, $0x0;
	[smem:$0x7FF] =	sst s1;
	s31 =	smax.u32 s11, $0x1  }
0xc: {  	s7 =	sshll.u32 s8, $0xA;
	s10 =	sadd.s32 $0x1200, s3;
	s24 =	sadd.s32 $0xFFFFFFFF, s31  }
0xd: {  	p0 =	sne.s32 s8, $0x0;
	s9 =	sshll.u32 s6, $0x9;
	p2 =	sne.s32 s24, $0x0  }
.Ltmp0:
0xe: {  	s8 =	simm.s32 $0xE140;
	s29 =	sor.u32 s9, s7;
	(pc) =	sbr.rel @!p2 .LBB2_3-.Ltmp0, $4  }
0xf: {  	_ =	strace $0x80000047;
	s9 =	sshrl.u32 s29, $0x3;
	s6 =	sshll.u32 s29, $0x4  }
0x10: {  	s21 =	sshrl.u32 @!p0 s2, $0x3;
	s14 =	sadd.s32 s4, s9;
	s7 =	sadd.s32 s5, s6  }
0x11: {  	s11 =	simm.s32 $0x6140;
	s9 =	simm.s32 $0xA140;
	s5 =	simm.s32 $0x2  }
0x12: {  	s6 =	sadd.s32 $0x800, s7;
	s4 =	sadd.s32 $0x1000, s7;
	s3 =	sadd.s32 $0x1800, s7  }
0x13: {  	s22 =	simm.s32 @!p0 $0x1C03;
	s23 =	simm.s32 @!p0 $0x3  }
0x14: {  	[spmem:s21], [sflag:s22] =	dma.local @!p0 [hbm:s10], $0x3E80  }
0x15: {  	_ =	swait.ge @!p0 [sflag:s23], $0x3E80  }
0x16: {  	[sflag:s23] =	ssyncset.done @!p0 $0x0  }
0x17: {  	[sflag:s23] =	ssyncadd.s32 @!p0 $0xFFFFC180  }
0x18: {  	[tilespmem:s16], [sflag:$0x3] =	stream.linear.gather [hbm4b:s14+s1], $0x200, $0x38;
	[tilespmem:$0x12140] =	vst v63  }
0x19: {  	_ =	swait.ge [sflag:s17], $0x200  }
0x1a: {  	[sflag:s17] =	ssyncset.done $0x0  }
0x1b: {  	[sflag:s17] =	ssyncadd.s32 $0xFFFFFE00  }
0x1c: {  	[bflag:$0x0] =	sbarrier.arrive $0xFFFF  }
0x1d: {  	[tilespmem:s13], [sflag:$0x1] =	stream.indirect.gather [spmem:s2], $0x80, s16, s15, $0xb8;
	[tilespmem:$0x12140] =	vst v63  }
0x1e: {  	_ = 	snop  }
0x1f: {  	[tilespmem:s11], [sflag:$0x1] =	stream.indirect.gather [spmem:s2], $0x80, s18, s15, $0xb8;
	[tilespmem:$0x12140] =	vst v63  }
0x20: {  	_ = 	snop  }
0x21: {  	[tilespmem:s9], [sflag:$0x1] =	stream.indirect.gather [spmem:s2], $0x80, s19, s15, $0xb8;
	[tilespmem:$0x12140] =	vst v63  }
0x22: {  	_ = 	snop  }
0x23: {  	[tilespmem:s8], [sflag:$0x1] =	stream.indirect.gather [spmem:s2], $0x80, s20, s15, $0xb8;
	[tilespmem:$0x12140] =	vst v63  }
0x24: {  	_ =	swait.ge [sflag:s12], $0x4000  }
0x25: {  	[sflag:s12] =	ssyncset.done $0x0  }
0x26: {  	[sflag:s12] =	ssyncadd.s32 $0xFFFFC000  }
0x27: {  	[hbm4b:s7+s1] =	stream.linear.scatter [tilespmem:s13], [sflag:$0x2], $0x4000, $0x38;
	[tilespmem:$0x12140] =	vst v63  }
0x28: {  	_ =	swait.ge [sflag:s12], $0x4000  }
0x29: {  	[sflag:s12] =	ssyncset.done $0x0  }
0x2a: {  	[sflag:s12] =	ssyncadd.s32 $0xFFFFC000  }
0x2b: {  	[hbm4b:s6+s1] =	stream.linear.scatter [tilespmem:s11], [sflag:$0x2], $0x4000, $0x38;
	[tilespmem:$0x12140] =	vst v63  }
0x2c: {  	_ =	swait.ge [sflag:s12], $0x4000  }
0x2d: {  	[sflag:s12] =	ssyncset.done $0x0  }
0x2e: {  	[sflag:s12] =	ssyncadd.s32 $0xFFFFC000  }
0x2f: {  	[hbm4b:s4+s1] =	stream.linear.scatter [tilespmem:s9], [sflag:$0x2], $0x4000, $0x38;
	[tilespmem:$0x12140] =	vst v63  }
0x30: {  	_ =	swait.ge [sflag:s12], $0x4000  }
0x31: {  	[sflag:s12] =	ssyncset.done $0x0  }
0x32: {  	[sflag:s12] =	ssyncadd.s32 $0xFFFFC000  }
0x33: {  	[hbm4b:s3+s1] =	stream.linear.scatter [tilespmem:s8], [sflag:$0x2], $0x4000, $0x38;
	[tilespmem:$0x12140] =	vst v63  }
0x34: {  	_ =	swait.ge [sflag:s5], $0x4000  }
0x35: {  	[sflag:s5] =	ssyncset.done $0x0  }
0x36: {  	[sflag:s5] =	ssyncadd.s32 $0xFFFFC000  }
0x37: {  	_ =	swait.ge [sflag:s5], $0x4000  }
0x38: {  	s24 =	sadd.s32 $0xFFFFFFFF, s24;
	[sflag:s5] =	ssyncset.done $0x0  }
0x39: {  	p2 =	sne.s32 s24, $0x0;
	[sflag:s5] =	ssyncadd.s32 $0xFFFFC000  }
.Ltmp1:
0x3a: {  	_ =	swait.ge [sflag:s5], $0x4000;
	(pc) =	sbr.rel @!p2 .LBB2_3-.Ltmp1, $4  }
0x3b: {  	[sflag:s5] =	ssyncset.done $0x0  }
0x3c: {  	[sflag:s5] =	ssyncadd.s32 $0xFFFFC000  }
0x3d: {  	_ =	swait.ge [sflag:s5], $0x4000  }
0x3e: {  	p1 =	por $0x1, $0x1;
	[sflag:s5] =	ssyncset.done $0x0  }
.LBB2_2:
0x3f: {  	[sflag:s5] =	ssyncadd.s32 $0xFFFFC000  }
0x40: {  	[spmem:s21], [sflag:s22] =	dma.local @!p0 [hbm:s10], $0x3E80  }
0x41: {  	s24 =	sadd.s32 $0xFFFFFFFF, s24;
	_ =	swait.ge @!p0 [sflag:s23], $0x3E80  }
0x42: {  	p2 =	sne.s32 s24, $0x0;
	[sflag:s23] =	ssyncset.done @!p0 $0x0  }
0x43: {  	[sflag:s23] =	ssyncadd.s32 @!p0 $0xFFFFC180  }
0x44: {  	[tilespmem:s16], [sflag:$0x3] =	stream.linear.gather [hbm4b:s14+s1], $0x200, $0x38;
	[tilespmem:$0x12140] =	vst v63  }
0x45: {  	_ =	swait.ge [sflag:s17], $0x200  }
0x46: {  	[sflag:s17] =	ssyncset.done $0x0  }
0x47: {  	[sflag:s17] =	ssyncadd.s32 $0xFFFFFE00  }
0x48: {  	[bflag:$0x0] =	sbarrier.arrive $0xFFFF  }
0x49: {  	[tilespmem:s13], [sflag:$0x1] =	stream.indirect.gather [spmem:s2], $0x80, s16, s15, $0xb8;
	[tilespmem:$0x12140] =	vst v63  }
0x4a: {  	_ = 	snop  }
0x4b: {  	[tilespmem:s11], [sflag:$0x1] =	stream.indirect.gather [spmem:s2], $0x80, s18, s15, $0xb8;
	[tilespmem:$0x12140] =	vst v63  }
0x4c: {  	_ = 	snop  }
0x4d: {  	[tilespmem:s9], [sflag:$0x1] =	stream.indirect.gather [spmem:s2], $0x80, s19, s15, $0xb8;
	[tilespmem:$0x12140] =	vst v63  }
0x4e: {  	_ = 	snop  }
0x4f: {  	[tilespmem:s8], [sflag:$0x1] =	stream.indirect.gather [spmem:s2], $0x80, s20, s15, $0xb8;
	[tilespmem:$0x12140] =	vst v63  }
0x50: {  	_ =	swait.ge [sflag:s12], $0x4000  }
0x51: {  	[sflag:s12] =	ssyncset.done $0x0  }
0x52: {  	[sflag:s12] =	ssyncadd.s32 $0xFFFFC000  }
0x53: {  	[hbm4b:s7+s1] =	stream.linear.scatter [tilespmem:s13], [sflag:$0x2], $0x4000, $0x38;
	[tilespmem:$0x12140] =	vst v63  }
0x54: {  	_ =	swait.ge [sflag:s12], $0x4000  }
0x55: {  	[sflag:s12] =	ssyncset.done $0x0  }
0x56: {  	[sflag:s12] =	ssyncadd.s32 $0xFFFFC000  }
0x57: {  	[hbm4b:s6+s1] =	stream.linear.scatter [tilespmem:s11], [sflag:$0x2], $0x4000, $0x38;
	[tilespmem:$0x12140] =	vst v63  }
0x58: {  	_ =	swait.ge [sflag:s12], $0x4000  }
0x59: {  	[sflag:s12] =	ssyncset.done $0x0  }
0x5a: {  	[sflag:s12] =	ssyncadd.s32 $0xFFFFC000  }
0x5b: {  	[hbm4b:s4+s1] =	stream.linear.scatter [tilespmem:s9], [sflag:$0x2], $0x4000, $0x38;
	[tilespmem:$0x12140] =	vst v63  }
0x5c: {  	_ =	swait.ge [sflag:s12], $0x4000  }
0x5d: {  	[sflag:s12] =	ssyncset.done $0x0  }
0x5e: {  	[sflag:s12] =	ssyncadd.s32 $0xFFFFC000  }
0x5f: {  	[hbm4b:s3+s1] =	stream.linear.scatter [tilespmem:s8], [sflag:$0x2], $0x4000, $0x38;
	[tilespmem:$0x12140] =	vst v63  }
0x60: {  	_ =	swait.ge [sflag:s5], $0x4000  }
0x61: {  	[sflag:s5] =	ssyncset.done $0x0  }
0x62: {  	[sflag:s5] =	ssyncadd.s32 $0xFFFFC000  }
0x63: {  	_ =	swait.ge [sflag:s5], $0x4000  }
0x64: {  	[sflag:s5] =	ssyncset.done $0x0  }
0x65: {  	[sflag:s5] =	ssyncadd.s32 $0xFFFFC000  }
.Ltmp2:
0x66: {  	_ =	swait.ge [sflag:s5], $0x4000;
	(pc) =	sbr.rel @p2 .LBB2_2-.Ltmp2, $4  }
0x67: {  	[sflag:s5] =	ssyncset.done $0x0  }
0x68: {  	[sflag:s5] =	ssyncadd.s32 $0xFFFFC000  }
0x69: {  	_ =	swait.ge [sflag:s5], $0x4000  }
0x6a: {  	[sflag:s5] =	ssyncset.done $0x0  }
.LBB2_3:
0x6b: {  	s22 =	simm.s32 @!p0 $0x1C03;
	s23 =	simm.s32 @!p0 $0x3;
	[sflag:s5] =	ssyncadd.s32 @p1 $0xFFFFC000  }
0x6c: {  	[spmem:s21], [sflag:s22] =	dma.local @!p0 [hbm:s10], $0x3E80  }
0x6d: {  	_ =	swait.ge @!p0 [sflag:s23], $0x3E80  }
0x6e: {  	[sflag:s23] =	ssyncset.done @!p0 $0x0  }
0x6f: {  	[sflag:s23] =	ssyncadd.s32 @!p0 $0xFFFFC180  }
0x70: {  	[tilespmem:s16], [sflag:$0x3] =	stream.linear.gather [hbm4b:s14+s1], $0x200, $0x38;
	[tilespmem:$0x12140] =	vst v63  }
0x71: {  	_ =	swait.ge [sflag:s17], $0x200  }
0x72: {  	[sflag:s17] =	ssyncset.done $0x0  }
0x73: {  	[sflag:s17] =	ssyncadd.s32 $0xFFFFFE00  }
0x74: {  	[bflag:$0x0] =	sbarrier.arrive $0xFFFF  }
0x75: {  	[tilespmem:s13], [sflag:$0x1] =	stream.indirect.gather [spmem:s2], $0x80, s16, s15, $0xb8;
	[tilespmem:$0x12140] =	vst v63  }
0x76: {  	_ = 	snop  }
0x77: {  	[tilespmem:s11], [sflag:$0x1] =	stream.indirect.gather [spmem:s2], $0x80, s18, s15, $0xb8;
	[tilespmem:$0x12140] =	vst v63  }
0x78: {  	_ = 	snop  }
0x79: {  	[tilespmem:s9], [sflag:$0x1] =	stream.indirect.gather [spmem:s2], $0x80, s19, s15, $0xb8;
	[tilespmem:$0x12140] =	vst v63  }
0x7a: {  	_ = 	snop  }
0x7b: {  	[tilespmem:s8], [sflag:$0x1] =	stream.indirect.gather [spmem:s2], $0x80, s20, s15, $0xb8;
	[tilespmem:$0x12140] =	vst v63  }
0x7c: {  	_ =	swait.ge [sflag:s12], $0x4000  }
0x7d: {  	[sflag:s12] =	ssyncset.done $0x0  }
0x7e: {  	[sflag:s12] =	ssyncadd.s32 $0xFFFFC000  }
0x7f: {  	[hbm4b:s7+s1] =	stream.linear.scatter [tilespmem:s13], [sflag:$0x2], $0x4000, $0x38;
	[tilespmem:$0x12140] =	vst v63  }
0x80: {  	_ =	swait.ge [sflag:s12], $0x4000  }
0x81: {  	[sflag:s12] =	ssyncset.done $0x0  }
0x82: {  	[sflag:s12] =	ssyncadd.s32 $0xFFFFC000  }
0x83: {  	[hbm4b:s6+s1] =	stream.linear.scatter [tilespmem:s11], [sflag:$0x2], $0x4000, $0x38;
	[tilespmem:$0x12140] =	vst v63  }
0x84: {  	_ =	swait.ge [sflag:s12], $0x4000  }
0x85: {  	[sflag:s12] =	ssyncset.done $0x0  }
0x86: {  	[sflag:s12] =	ssyncadd.s32 $0xFFFFC000  }
0x87: {  	[hbm4b:s4+s1] =	stream.linear.scatter [tilespmem:s9], [sflag:$0x2], $0x4000, $0x38;
	[tilespmem:$0x12140] =	vst v63  }
0x88: {  	_ =	swait.ge [sflag:s12], $0x4000  }
0x89: {  	[sflag:s12] =	ssyncset.done $0x0  }
0x8a: {  	[sflag:s12] =	ssyncadd.s32 $0xFFFFC000  }
0x8b: {  	[hbm4b:s3+s1] =	stream.linear.scatter [tilespmem:s8], [sflag:$0x2], $0x4000, $0x38;
	[tilespmem:$0x12140] =	vst v63  }
0x8c: {  	_ =	swait.ge [sflag:s5], $0x4000  }
0x8d: {  	[sflag:s5] =	ssyncset.done $0x0  }
0x8e: {  	[sflag:s5] =	ssyncadd.s32 $0xFFFFC000  }
0x8f: {  	_ =	swait.ge [sflag:s5], $0x4000  }
0x90: {  	[sflag:s5] =	ssyncset.done $0x0  }
0x91: {  	[sflag:s5] =	ssyncadd.s32 $0xFFFFC000  }
0x92: {  	_ =	swait.ge [sflag:s5], $0x4000  }
0x93: {  	[sflag:s5] =	ssyncset.done $0x0  }
0x94: {  	[sflag:s5] =	ssyncadd.s32 $0xFFFFC000  }
0x95: {  	_ =	swait.ge [sflag:s5], $0x4000  }
0x96: {  	[sflag:s5] =	ssyncset.done $0x0  }
0x97: {  	[sflag:s5] =	ssyncadd.s32 $0xFFFFC000  }
0x98: {  	_ =	sfence.sel $0x180000  }
0x99: {  	[bflag:$0x0] =	sbarrier.arrive $0xFFFF  }
0x9a: {  	_ =	strace $0x90000047  }
0x9b: {  	s0 =	sadd.s32 @!p0 $0x100000, s0;
	[bflag:$0x2] =	sbarrier.arrive $0xFFFF  }
0x9c: {  	[sflag:s0] =	ssyncadd.tile.s32 @!p0 $0x1;
	_ =	shalt  }
.Lfunc_end2:
_tile_overlayer_lowered:
.L_overlay_start_2:
0x9d: {  	(tag) =	ssettag $0x2  }
0x9e: {  	s0 =	rddreg [dreg:$0x0];
	s2 =	stileid.u32  }
0x9f: {  	s1 =	rddreg [dreg:$0x1];
	p0 =	sne.s32 s2, $0x0  }
0xa0: {  	s3 =	rddreg [dreg:$0x2];
	[bflag:$0x3] =	sbarrier.arrive $0xFFFF;
	s2 =	simm.s32 @!p0 $0x1C03  }
0xa1: {  	[timem:s3], [sflag:s2] =	dma.local @!p0 [hbm:s0], s1  }
0xa2: {  	s0 =	simm.s32 @!p0 $0x3  }
0xa3: {  	_ =	swait.ge @!p0 [sflag:s0], s1  }
0xa4: {  	s1 =	ssub.s32 @!p0 $0x0, s1;
	[sflag:s0] =	ssyncset.done @!p0 $0x0  }
0xa5: {  	[sflag:s0] =	ssyncadd.s32 @!p0 s1  }
0xa6: {  	[bflag:$0x3] =	sbarrier.arrive $0xFFFF  }
0xa7: {  	_ =	shalt  }

</sc_bundles>
